<compile_context>
chip_gen: v7x
topology: tpu7x:2x2x1
jax: 0.10.2.dev20260603
libtpu: 0.0.44.dev20260713+nightly
codegen_flags: <defaults>
</compile_context>

<pallas_src>
import functools

import jax
import jax.numpy as jnp
from jax import lax
from jax.experimental import pallas as pl
from jax.experimental.pallas import tpu as pltpu
from jax.experimental.pallas import tpu_sc as plsc

VOCAB = 100000
EMBED = 128
BATCH = 4096
HIST = 50

NTOT = BATCH * HIST
NW = 32
PER_W = NTOT // NW
CHUNK = 128
NCHUNK = PER_W // CHUNK


@functools.partial(
    pl.kernel,
    mesh=plsc.VectorSubcoreMesh(core_axis_name="c", subcore_axis_name="s"),
    out_type=jax.ShapeDtypeStruct((NTOT, EMBED), jnp.float32),
    scratch_types=[
        pltpu.VMEM((NCHUNK, CHUNK), jnp.int32),
        pltpu.VMEM((CHUNK, EMBED), jnp.float32),
        pltpu.VMEM((CHUNK, EMBED), jnp.float32),
        pltpu.VMEM((CHUNK, EMBED), jnp.float32),
        pltpu.VMEM((CHUNK, EMBED), jnp.float32),
        pltpu.SemaphoreType.DMA,
        pltpu.SemaphoreType.DMA,
        pltpu.SemaphoreType.DMA,
        pltpu.SemaphoreType.DMA,
        pltpu.SemaphoreType.DMA,
        pltpu.SemaphoreType.DMA,
        pltpu.SemaphoreType.DMA,
        pltpu.SemaphoreType.DMA,
    ],
)
def _embed_gather(idx_hbm, table_hbm, out_hbm, idx_v, r0, r1, r2, r3,
                  g0, g1, g2, g3, w0, w1, w2, w3):
    wid = lax.axis_index("s") * 2 + lax.axis_index("c")
    base = wid * PER_W
    bufs = (r0, r1, r2, r3)
    gsems = (g0, g1, g2, g3)
    wsems = (w0, w1, w2, w3)
    pltpu.sync_copy(idx_hbm.at[wid], idx_v)

    def wb_dst(c):
        return out_hbm.at[pl.ds(base + c * CHUNK, CHUNK)]

    pltpu.async_copy(table_hbm.at[idx_v.at[0]], r0, g0)
    pltpu.async_copy(table_hbm.at[idx_v.at[1]], r1, g1)

    def body(i, carry):
        for b in range(4):
            s = i * 4 + b
            nb = (b + 2) % 4
            pltpu.make_async_copy(table_hbm.at[idx_v.at[s]], bufs[b],
                                  gsems[b]).wait()
            pltpu.async_copy(bufs[b], wb_dst(s), wsems[b])

            @pl.when(s >= 2)
            def _():
                pltpu.make_async_copy(bufs[nb], wb_dst(s - 2),
                                      wsems[nb]).wait()

            pltpu.async_copy(table_hbm.at[idx_v.at[s + 2]], bufs[nb],
                             gsems[nb])
        return carry

    lax.fori_loop(0, (NCHUNK - 2) // 4, body, 0)

    for s in (NCHUNK - 2, NCHUNK - 1):
        b = s % 4
        nb = (b + 2) % 4
        pltpu.make_async_copy(table_hbm.at[idx_v.at[s]], bufs[b],
                              gsems[b]).wait()
        pltpu.async_copy(bufs[b], wb_dst(s), wsems[b])
        pltpu.make_async_copy(bufs[nb], wb_dst(s - 2), wsems[nb]).wait()

    for s in (NCHUNK - 2, NCHUNK - 1):
        b = s % 4
        pltpu.make_async_copy(bufs[b], wb_dst(s), wsems[b]).wait()


def kernel(input_seqs, table):
    idx = input_seqs.astype(jnp.int32).T.reshape(NW, NCHUNK, CHUNK)
    out = _embed_gather(idx, table)
    return out.reshape(HIST, BATCH, EMBED).transpose(1, 0, 2)

# --- scband reference (transcript-rebuilt; emitter-appended) ---
"""Pipeline reference for scband-embedding-22007412424724 (READ-ONLY COPY).

The authoritative reference and input builder live on the scoring server;
editing this copy changes nothing except your own understanding.
"""

import jax, jax.numpy as jnp
import numpy as np

VOCAB = 100000
EMBED_DIM = 128
BATCH = 4096
HIST = 50

def setup_inputs(seed: int = 0) -> dict:
    key = jax.random.key(seed)
    k_idx, k_tab = jax.random.split(key)
    input_seqs = jax.random.randint(k_idx, (BATCH, HIST), 0, VOCAB, dtype=jnp.int64 if jax.config.jax_enable_x64 else jnp.int32)
    table = jax.random.normal(k_tab, (VOCAB, EMBED_DIM), dtype=jnp.float32)
    # nn.Embedding(padding_idx=0): row 0 initialized to zeros
    table = table.at[0].set(0.0)
    return {"input_seqs": input_seqs, "table": table}

def reference(input_seqs, table):
    # embedding lookup (gather); dropout=0.0 -> identity
    embedded = jnp.take(table, input_seqs, axis=0)
    return embedded

if __name__ == "__main__":
    import jax
    _d = setup_inputs()
    print(jax.jit(kernel)(*tuple(_d.values())))

</pallas_src>

<mosaic_0001>
#map = affine_map<(d0, d1) -> (0, 0, 0)>
#map1 = affine_map<(d0, d1) -> (0, 0)>
module attributes {stable_mosaic.version = 14 : i64} {
  func.func @_embed_gather(%arg0: i32, %arg1: i32, %arg2: memref<32x50x128xi32, #tpu.memory_space<hbm>>, %arg3: memref<100000x128xf32, #tpu.memory_space<hbm>>, %arg4: memref<204800x128xf32, #tpu.memory_space<hbm>>, %arg5: memref<50x128xi32, #tpu.memory_space<vmem>>, %arg6: memref<128x128xf32, #tpu.memory_space<vmem>>, %arg7: memref<128x128xf32, #tpu.memory_space<vmem>>, %arg8: memref<128x128xf32, #tpu.memory_space<vmem>>, %arg9: memref<128x128xf32, #tpu.memory_space<vmem>>, %arg10: memref<!tpu.dma_semaphore, #tpu.memory_space<semaphore_mem>>, %arg11: memref<!tpu.dma_semaphore, #tpu.memory_space<semaphore_mem>>, %arg12: memref<!tpu.dma_semaphore, #tpu.memory_space<semaphore_mem>>, %arg13: memref<!tpu.dma_semaphore, #tpu.memory_space<semaphore_mem>>, %arg14: memref<!tpu.dma_semaphore, #tpu.memory_space<semaphore_mem>>, %arg15: memref<!tpu.dma_semaphore, #tpu.memory_space<semaphore_mem>>, %arg16: memref<!tpu.dma_semaphore, #tpu.memory_space<semaphore_mem>>, %arg17: memref<!tpu.dma_semaphore, #tpu.memory_space<semaphore_mem>>) attributes {dimension_semantics = [#tpu.dimension_semantics<core_parallel>, #tpu.dimension_semantics<subcore_parallel>], iteration_bounds = array<i64: 2, 16>, scalar_prefetch = 0 : i64, scratch_operands = 13 : i64, tpu.core_type = #tpu.core_type<sc_vector_subcore>, window_params = [{transform_indices = #map}, {transform_indices = #map1}, {transform_indices = #map1}]} {
    %mul3A = arith.constant 2 : i32
    %mul3A_0 = arith.muli %arg1, %mul3A : i32
    %add3A = arith.addi %mul3A_0, %arg0 : i32
    %mul3A_1 = arith.constant 6400 : i32
    %mul3A_2 = arith.muli %add3A, %mul3A_1 : i32
    "tpu.region"() ({
      %run_scoped3A = tpu.sem_alloc : memref<!tpu.dma_semaphore, #tpu.memory_space<semaphore_mem>>
      %dma_start3A_70 = arith.constant 0 : i32
      %dma_start3A_71 = arith.constant 0 : i32
      %dma_start3A_72 = tpu.memref_slice %arg2[%add3A, %dma_start3A_70, %dma_start3A_71] : memref<32x50x128xi32, #tpu.memory_space<hbm>> -> memref<1x50x128xi32, #tpu.memory_space<hbm>>
      %dma_start3A_73 = tpu.memref_squeeze %dma_start3A_72 : memref<1x50x128xi32, #tpu.memory_space<hbm>> -> memref<50x128xi32, #tpu.memory_space<hbm>>
      %dma_start3A_74 = arith.constant 0 : i32
      %dma_start3A_75 = arith.constant 0 : i32
      %dma_start3A_76 = tpu.memref_slice %arg2[%add3A, %dma_start3A_74, %dma_start3A_75] : memref<32x50x128xi32, #tpu.memory_space<hbm>> -> memref<1x50x128xi32, #tpu.memory_space<hbm>>
      %dma_start3A_77 = tpu.memref_squeeze %dma_start3A_76 : memref<1x50x128xi32, #tpu.memory_space<hbm>> -> memref<50x128xi32, #tpu.memory_space<hbm>>
      tpu.enqueue_dma source(%dma_start3A_77 : memref<50x128xi32, #tpu.memory_space<hbm>>) target(%arg5 : memref<50x128xi32, #tpu.memory_space<vmem>>) target_semaphore(%run_scoped3A : memref<!tpu.dma_semaphore, #tpu.memory_space<semaphore_mem>>)
      %dma_wait3A_78 = arith.constant 0 : i32
      %dma_wait3A_79 = arith.constant 0 : i32
      %dma_wait3A_80 = tpu.memref_slice %arg2[%add3A, %dma_wait3A_78, %dma_wait3A_79] : memref<32x50x128xi32, #tpu.memory_space<hbm>> -> memref<1x50x128xi32, #tpu.memory_space<hbm>>
      %dma_wait3A_81 = tpu.memref_squeeze %dma_wait3A_80 : memref<1x50x128xi32, #tpu.memory_space<hbm>> -> memref<50x128xi32, #tpu.memory_space<hbm>>
      %dma_wait3A_82 = arith.constant 0 : i32
      %dma_wait3A_83 = arith.constant 0 : i32
      %dma_wait3A_84 = tpu.memref_slice %arg2[%add3A, %dma_wait3A_82, %dma_wait3A_83] : memref<32x50x128xi32, #tpu.memory_space<hbm>> -> memref<1x50x128xi32, #tpu.memory_space<hbm>>
      %dma_wait3A_85 = tpu.memref_squeeze %dma_wait3A_84 : memref<1x50x128xi32, #tpu.memory_space<hbm>> -> memref<50x128xi32, #tpu.memory_space<hbm>>
      tpu.wait_dma2 semaphore(%run_scoped3A : memref<!tpu.dma_semaphore, #tpu.memory_space<semaphore_mem>>) src(%dma_wait3A_85 : memref<50x128xi32, #tpu.memory_space<hbm>>) dst(%arg5 : memref<50x128xi32, #tpu.memory_space<vmem>>)
      tpu.yield
    }) : () -> ()
    %dma_start3A = arith.constant 0 : i32
    %dma_start3A_3 = arith.constant 0 : i32
    %dma_start3A_4 = tpu.memref_slice %arg5[%dma_start3A, %dma_start3A_3] : memref<50x128xi32, #tpu.memory_space<vmem>> -> memref<1x128xi32, #tpu.memory_space<vmem>>
    %dma_start3A_5 = tpu.memref_squeeze %dma_start3A_4 : memref<1x128xi32, #tpu.memory_space<vmem>> -> memref<128xi32, #tpu.memory_space<vmem>>
    %dma_start3A_6 = arith.constant 0 : i32
    %dma_start3A_7 = arith.constant 0 : i32
    %dma_start3A_8 = tpu.memref_slice %arg3[%dma_start3A_6, %dma_start3A_7] : memref<100000x128xf32, #tpu.memory_space<hbm>> -> memref<100000x128xf32, #tpu.memory_space<hbm>>
    tpu.enqueue_indirect_dma source(%dma_start3A_8 : memref<100000x128xf32, #tpu.memory_space<hbm>>) target(%arg6 : memref<128x128xf32, #tpu.memory_space<vmem>>) offsets(%dma_start3A_5 : memref<128xi32, #tpu.memory_space<vmem>>) semaphore(%arg10 : memref<!tpu.dma_semaphore, #tpu.memory_space<semaphore_mem>>)
    %dma_start3A_9 = arith.constant 1 : i32
    %dma_start3A_10 = arith.constant 0 : i32
    %dma_start3A_11 = tpu.memref_slice %arg5[%dma_start3A_9, %dma_start3A_10] : memref<50x128xi32, #tpu.memory_space<vmem>> -> memref<1x128xi32, #tpu.memory_space<vmem>>
    %dma_start3A_12 = tpu.memref_squeeze %dma_start3A_11 : memref<1x128xi32, #tpu.memory_space<vmem>> -> memref<128xi32, #tpu.memory_space<vmem>>
    %dma_start3A_13 = arith.constant 0 : i32
    %dma_start3A_14 = arith.constant 0 : i32
    %dma_start3A_15 = tpu.memref_slice %arg3[%dma_start3A_13, %dma_start3A_14] : memref<100000x128xf32, #tpu.memory_space<hbm>> -> memref<100000x128xf32, #tpu.memory_space<hbm>>
    tpu.enqueue_indirect_dma source(%dma_start3A_15 : memref<100000x128xf32, #tpu.memory_space<hbm>>) target(%arg7 : memref<128x128xf32, #tpu.memory_space<vmem>>) offsets(%dma_start3A_12 : memref<128xi32, #tpu.memory_space<vmem>>) semaphore(%arg11 : memref<!tpu.dma_semaphore, #tpu.memory_space<semaphore_mem>>)
    %scan3A = arith.constant 0 : i32
    %scan3A_16 = arith.constant 0 : i32
    %scan3A_17 = arith.constant 12 : i32
    %scan3A_18 = arith.addi %scan3A_16, %scan3A_17 : i32
    %scan3A_19 = arith.constant 1 : i32
    scf.for %scan3A_70 = %scan3A_16 to %scan3A_18 step %scan3A_19  : i32 {
      %mul3A_71 = arith.constant 4 : i32
      %mul3A_72 = arith.muli %scan3A_70, %mul3A_71 : i32
      %add3A_73 = arith.constant 0 : i32
      %add3A_74 = arith.addi %mul3A_72, %add3A_73 : i32
      %dma_wait3A_75 = arith.constant 0 : i32
      %dma_wait3A_76 = tpu.memref_slice %arg5[%add3A_74, %dma_wait3A_75] : memref<50x128xi32, #tpu.memory_space<vmem>> -> memref<1x128xi32, #tpu.memory_space<vmem>>
      %dma_wait3A_77 = tpu.memref_squeeze %dma_wait3A_76 : memref<1x128xi32, #tpu.memory_space<vmem>> -> memref<128xi32, #tpu.memory_space<vmem>>
      %dma_wait3A_78 = arith.constant 0 : i32
      %dma_wait3A_79 = arith.constant 0 : i32
      %dma_wait3A_80 = tpu.memref_slice %arg3[%dma_wait3A_78, %dma_wait3A_79] : memref<100000x128xf32, #tpu.memory_space<hbm>> -> memref<100000x128xf32, #tpu.memory_space<hbm>>
      tpu.wait_indirect_dma semaphore(%arg10 : memref<!tpu.dma_semaphore, #tpu.memory_space<semaphore_mem>>) src(%dma_wait3A_80 : memref<100000x128xf32, #tpu.memory_space<hbm>>) dst(%arg6 : memref<128x128xf32, #tpu.memory_space<vmem>>)
      %mul3A_81 = arith.constant 128 : i32
      %mul3A_82 = arith.muli %add3A_74, %mul3A_81 : i32
      %add3A_83 = arith.addi %mul3A_2, %mul3A_82 : i32
      %dma_start3A_84 = arith.constant 0 : i32
      %dma_start3A_85 = tpu.memref_slice %arg4[%add3A_83, %dma_start3A_84] : memref<204800x128xf32, #tpu.memory_space<hbm>> -> memref<128x128xf32, #tpu.memory_space<hbm>>
      %dma_start3A_86 = arith.constant 0 : i32
      %dma_start3A_87 = tpu.memref_slice %arg4[%add3A_83, %dma_start3A_86] : memref<204800x128xf32, #tpu.memory_space<hbm>> -> memref<128x128xf32, #tpu.memory_space<hbm>>
      tpu.enqueue_dma source(%arg6 : memref<128x128xf32, #tpu.memory_space<vmem>>) target(%dma_start3A_87 : memref<128x128xf32, #tpu.memory_space<hbm>>) target_semaphore(%arg14 : memref<!tpu.dma_semaphore, #tpu.memory_space<semaphore_mem>>)
      %ge3A = arith.constant 2 : i32
      %ge3A_88 = arith.cmpi sge, %add3A_74, %ge3A : i32
      %convert_element_type3A = arith.extui %ge3A_88 : i1 to i32
      %cond3A = arith.constant 0 : i32
      %cond3A_89 = arith.cmpi ne, %convert_element_type3A, %cond3A : i32
      scf.if %cond3A_89 {
        %sub3A = arith.constant 2 : i32
        %sub3A_188 = arith.subi %add3A_74, %sub3A : i32
        %mul3A_189 = arith.constant 128 : i32
        %mul3A_190 = arith.muli %sub3A_188, %mul3A_189 : i32
        %add3A_191 = arith.addi %mul3A_2, %mul3A_190 : i32
        %dma_wait3A_192 = arith.constant 0 : i32
        %dma_wait3A_193 = tpu.memref_slice %arg4[%add3A_191, %dma_wait3A_192] : memref<204800x128xf32, #tpu.memory_space<hbm>> -> memref<128x128xf32, #tpu.memory_space<hbm>>
        %dma_wait3A_194 = arith.constant 0 : i32
        %dma_wait3A_195 = tpu.memref_slice %arg4[%add3A_191, %dma_wait3A_194] : memref<204800x128xf32, #tpu.memory_space<hbm>> -> memref<128x128xf32, #tpu.memory_space<hbm>>
        tpu.wait_dma2 semaphore(%arg16 : memref<!tpu.dma_semaphore, #tpu.memory_space<semaphore_mem>>) src(%arg8 : memref<128x128xf32, #tpu.memory_space<vmem>>) dst(%dma_wait3A_195 : memref<128x128xf32, #tpu.memory_space<hbm>>)
      } else {
      }
      %add3A_90 = arith.constant 2 : i32
      %add3A_91 = arith.addi %add3A_74, %add3A_90 : i32
      %dma_start3A_92 = arith.constant 0 : i32
      %dma_start3A_93 = tpu.memref_slice %arg5[%add3A_91, %dma_start3A_92] : memref<50x128xi32, #tpu.memory_space<vmem>> -> memref<1x128xi32, #tpu.memory_space<vmem>>
      %dma_start3A_94 = tpu.memref_squeeze %dma_start3A_93 : memref<1x128xi32, #tpu.memory_space<vmem>> -> memref<128xi32, #tpu.memory_space<vmem>>
      %dma_start3A_95 = arith.constant 0 : i32
      %dma_start3A_96 = arith.constant 0 : i32
      %dma_start3A_97 = tpu.memref_slice %arg3[%dma_start3A_95, %dma_start3A_96] : memref<100000x128xf32, #tpu.memory_space<hbm>> -> memref<100000x128xf32, #tpu.memory_space<hbm>>
      tpu.enqueue_indirect_dma source(%dma_start3A_97 : memref<100000x128xf32, #tpu.memory_space<hbm>>) target(%arg8 : memref<128x128xf32, #tpu.memory_space<vmem>>) offsets(%dma_start3A_94 : memref<128xi32, #tpu.memory_space<vmem>>) semaphore(%arg12 : memref<!tpu.dma_semaphore, #tpu.memory_space<semaphore_mem>>)
      %mul3A_98 = arith.constant 4 : i32
      %mul3A_99 = arith.muli %scan3A_70, %mul3A_98 : i32
      %add3A_100 = arith.constant 1 : i32
      %add3A_101 = arith.addi %mul3A_99, %add3A_100 : i32
      %dma_wait3A_102 = arith.constant 0 : i32
      %dma_wait3A_103 = tpu.memref_slice %arg5[%add3A_101, %dma_wait3A_102] : memref<50x128xi32, #tpu.memory_space<vmem>> -> memref<1x128xi32, #tpu.memory_space<vmem>>
      %dma_wait3A_104 = tpu.memref_squeeze %dma_wait3A_103 : memref<1x128xi32, #tpu.memory_space<vmem>> -> memref<128xi32, #tpu.memory_space<vmem>>
      %dma_wait3A_105 = arith.constant 0 : i32
      %dma_wait3A_106 = arith.constant 0 : i32
      %dma_wait3A_107 = tpu.memref_slice %arg3[%dma_wait3A_105, %dma_wait3A_106] : memref<100000x128xf32, #tpu.memory_space<hbm>> -> memref<100000x128xf32, #tpu.memory_space<hbm>>
      tpu.wait_indirect_dma semaphore(%arg11 : memref<!tpu.dma_semaphore, #tpu.memory_space<semaphore_mem>>) src(%dma_wait3A_107 : memref<100000x128xf32, #tpu.memory_space<hbm>>) dst(%arg7 : memref<128x128xf32, #tpu.memory_space<vmem>>)
      %mul3A_108 = arith.constant 128 : i32
      %mul3A_109 = arith.muli %add3A_101, %mul3A_108 : i32
      %add3A_110 = arith.addi %mul3A_2, %mul3A_109 : i32
      %dma_start3A_111 = arith.constant 0 : i32
      %dma_start3A_112 = tpu.memref_slice %arg4[%add3A_110, %dma_start3A_111] : memref<204800x128xf32, #tpu.memory_space<hbm>> -> memref<128x128xf32, #tpu.memory_space<hbm>>
      %dma_start3A_113 = arith.constant 0 : i32
      %dma_start3A_114 = tpu.memref_slice %arg4[%add3A_110, %dma_start3A_113] : memref<204800x128xf32, #tpu.memory_space<hbm>> -> memref<128x128xf32, #tpu.memory_space<hbm>>
      tpu.enqueue_dma source(%arg7 : memref<128x128xf32, #tpu.memory_space<vmem>>) target(%dma_start3A_114 : memref<128x128xf32, #tpu.memory_space<hbm>>) target_semaphore(%arg15 : memref<!tpu.dma_semaphore, #tpu.memory_space<semaphore_mem>>)
      %ge3A_115 = arith.constant 2 : i32
      %ge3A_116 = arith.cmpi sge, %add3A_101, %ge3A_115 : i32
      %convert_element_type3A_117 = arith.extui %ge3A_116 : i1 to i32
      %cond3A_118 = arith.constant 0 : i32
      %cond3A_119 = arith.cmpi ne, %convert_element_type3A_117, %cond3A_118 : i32
      scf.if %cond3A_119 {
        %sub3A = arith.constant 2 : i32
        %sub3A_188 = arith.subi %add3A_101, %sub3A : i32
        %mul3A_189 = arith.constant 128 : i32
        %mul3A_190 = arith.muli %sub3A_188, %mul3A_189 : i32
        %add3A_191 = arith.addi %mul3A_2, %mul3A_190 : i32
        %dma_wait3A_192 = arith.constant 0 : i32
        %dma_wait3A_193 = tpu.memref_slice %arg4[%add3A_191, %dma_wait3A_192] : memref<204800x128xf32, #tpu.memory_space<hbm>> -> memref<128x128xf32, #tpu.memory_space<hbm>>
        %dma_wait3A_194 = arith.constant 0 : i32
        %dma_wait3A_195 = tpu.memref_slice %arg4[%add3A_191, %dma_wait3A_194] : memref<204800x128xf32, #tpu.memory_space<hbm>> -> memref<128x128xf32, #tpu.memory_space<hbm>>
        tpu.wait_dma2 semaphore(%arg17 : memref<!tpu.dma_semaphore, #tpu.memory_space<semaphore_mem>>) src(%arg9 : memref<128x128xf32, #tpu.memory_space<vmem>>) dst(%dma_wait3A_195 : memref<128x128xf32, #tpu.memory_space<hbm>>)
      } else {
      }
      %add3A_120 = arith.constant 2 : i32
      %add3A_121 = arith.addi %add3A_101, %add3A_120 : i32
      %dma_start3A_122 = arith.constant 0 : i32
      %dma_start3A_123 = tpu.memref_slice %arg5[%add3A_121, %dma_start3A_122] : memref<50x128xi32, #tpu.memory_space<vmem>> -> memref<1x128xi32, #tpu.memory_space<vmem>>
      %dma_start3A_124 = tpu.memref_squeeze %dma_start3A_123 : memref<1x128xi32, #tpu.memory_space<vmem>> -> memref<128xi32, #tpu.memory_space<vmem>>
      %dma_start3A_125 = arith.constant 0 : i32
      %dma_start3A_126 = arith.constant 0 : i32
      %dma_start3A_127 = tpu.memref_slice %arg3[%dma_start3A_125, %dma_start3A_126] : memref<100000x128xf32, #tpu.memory_space<hbm>> -> memref<100000x128xf32, #tpu.memory_space<hbm>>
      tpu.enqueue_indirect_dma source(%dma_start3A_127 : memref<100000x128xf32, #tpu.memory_space<hbm>>) target(%arg9 : memref<128x128xf32, #tpu.memory_space<vmem>>) offsets(%dma_start3A_124 : memref<128xi32, #tpu.memory_space<vmem>>) semaphore(%arg13 : memref<!tpu.dma_semaphore, #tpu.memory_space<semaphore_mem>>)
      %mul3A_128 = arith.constant 4 : i32
      %mul3A_129 = arith.muli %scan3A_70, %mul3A_128 : i32
      %add3A_130 = arith.constant 2 : i32
      %add3A_131 = arith.addi %mul3A_129, %add3A_130 : i32
      %dma_wait3A_132 = arith.constant 0 : i32
      %dma_wait3A_133 = tpu.memref_slice %arg5[%add3A_131, %dma_wait3A_132] : memref<50x128xi32, #tpu.memory_space<vmem>> -> memref<1x128xi32, #tpu.memory_space<vmem>>
      %dma_wait3A_134 = tpu.memref_squeeze %dma_wait3A_133 : memref<1x128xi32, #tpu.memory_space<vmem>> -> memref<128xi32, #tpu.memory_space<vmem>>
      %dma_wait3A_135 = arith.constant 0 : i32
      %dma_wait3A_136 = arith.constant 0 : i32
      %dma_wait3A_137 = tpu.memref_slice %arg3[%dma_wait3A_135, %dma_wait3A_136] : memref<100000x128xf32, #tpu.memory_space<hbm>> -> memref<100000x128xf32, #tpu.memory_space<hbm>>
      tpu.wait_indirect_dma semaphore(%arg12 : memref<!tpu.dma_semaphore, #tpu.memory_space<semaphore_mem>>) src(%dma_wait3A_137 : memref<100000x128xf32, #tpu.memory_space<hbm>>) dst(%arg8 : memref<128x128xf32, #tpu.memory_space<vmem>>)
      %mul3A_138 = arith.constant 128 : i32
      %mul3A_139 = arith.muli %add3A_131, %mul3A_138 : i32
      %add3A_140 = arith.addi %mul3A_2, %mul3A_139 : i32
      %dma_start3A_141 = arith.constant 0 : i32
      %dma_start3A_142 = tpu.memref_slice %arg4[%add3A_140, %dma_start3A_141] : memref<204800x128xf32, #tpu.memory_space<hbm>> -> memref<128x128xf32, #tpu.memory_space<hbm>>
      %dma_start3A_143 = arith.constant 0 : i32
      %dma_start3A_144 = tpu.memref_slice %arg4[%add3A_140, %dma_start3A_143] : memref<204800x128xf32, #tpu.memory_space<hbm>> -> memref<128x128xf32, #tpu.memory_space<hbm>>
      tpu.enqueue_dma source(%arg8 : memref<128x128xf32, #tpu.memory_space<vmem>>) target(%dma_start3A_144 : memref<128x128xf32, #tpu.memory_space<hbm>>) target_semaphore(%arg16 : memref<!tpu.dma_semaphore, #tpu.memory_space<semaphore_mem>>)
      %ge3A_145 = arith.constant 2 : i32
      %ge3A_146 = arith.cmpi sge, %add3A_131, %ge3A_145 : i32
      %convert_element_type3A_147 = arith.extui %ge3A_146 : i1 to i32
      %cond3A_148 = arith.constant 0 : i32
      %cond3A_149 = arith.cmpi ne, %convert_element_type3A_147, %cond3A_148 : i32
      scf.if %cond3A_149 {
        %sub3A = arith.constant 2 : i32
        %sub3A_188 = arith.subi %add3A_131, %sub3A : i32
        %mul3A_189 = arith.constant 128 : i32
        %mul3A_190 = arith.muli %sub3A_188, %mul3A_189 : i32
        %add3A_191 = arith.addi %mul3A_2, %mul3A_190 : i32
        %dma_wait3A_192 = arith.constant 0 : i32
        %dma_wait3A_193 = tpu.memref_slice %arg4[%add3A_191, %dma_wait3A_192] : memref<204800x128xf32, #tpu.memory_space<hbm>> -> memref<128x128xf32, #tpu.memory_space<hbm>>
        %dma_wait3A_194 = arith.constant 0 : i32
        %dma_wait3A_195 = tpu.memref_slice %arg4[%add3A_191, %dma_wait3A_194] : memref<204800x128xf32, #tpu.memory_space<hbm>> -> memref<128x128xf32, #tpu.memory_space<hbm>>
        tpu.wait_dma2 semaphore(%arg14 : memref<!tpu.dma_semaphore, #tpu.memory_space<semaphore_mem>>) src(%arg6 : memref<128x128xf32, #tpu.memory_space<vmem>>) dst(%dma_wait3A_195 : memref<128x128xf32, #tpu.memory_space<hbm>>)
      } else {
      }
      %add3A_150 = arith.constant 2 : i32
      %add3A_151 = arith.addi %add3A_131, %add3A_150 : i32
      %dma_start3A_152 = arith.constant 0 : i32
      %dma_start3A_153 = tpu.memref_slice %arg5[%add3A_151, %dma_start3A_152] : memref<50x128xi32, #tpu.memory_space<vmem>> -> memref<1x128xi32, #tpu.memory_space<vmem>>
      %dma_start3A_154 = tpu.memref_squeeze %dma_start3A_153 : memref<1x128xi32, #tpu.memory_space<vmem>> -> memref<128xi32, #tpu.memory_space<vmem>>
      %dma_start3A_155 = arith.constant 0 : i32
      %dma_start3A_156 = arith.constant 0 : i32
      %dma_start3A_157 = tpu.memref_slice %arg3[%dma_start3A_155, %dma_start3A_156] : memref<100000x128xf32, #tpu.memory_space<hbm>> -> memref<100000x128xf32, #tpu.memory_space<hbm>>
      tpu.enqueue_indirect_dma source(%dma_start3A_157 : memref<100000x128xf32, #tpu.memory_space<hbm>>) target(%arg6 : memref<128x128xf32, #tpu.memory_space<vmem>>) offsets(%dma_start3A_154 : memref<128xi32, #tpu.memory_space<vmem>>) semaphore(%arg10 : memref<!tpu.dma_semaphore, #tpu.memory_space<semaphore_mem>>)
      %mul3A_158 = arith.constant 4 : i32
      %mul3A_159 = arith.muli %scan3A_70, %mul3A_158 : i32
      %add3A_160 = arith.constant 3 : i32
      %add3A_161 = arith.addi %mul3A_159, %add3A_160 : i32
      %dma_wait3A_162 = arith.constant 0 : i32
      %dma_wait3A_163 = tpu.memref_slice %arg5[%add3A_161, %dma_wait3A_162] : memref<50x128xi32, #tpu.memory_space<vmem>> -> memref<1x128xi32, #tpu.memory_space<vmem>>
      %dma_wait3A_164 = tpu.memref_squeeze %dma_wait3A_163 : memref<1x128xi32, #tpu.memory_space<vmem>> -> memref<128xi32, #tpu.memory_space<vmem>>
      %dma_wait3A_165 = arith.constant 0 : i32
      %dma_wait3A_166 = arith.constant 0 : i32
      %dma_wait3A_167 = tpu.memref_slice %arg3[%dma_wait3A_165, %dma_wait3A_166] : memref<100000x128xf32, #tpu.memory_space<hbm>> -> memref<100000x128xf32, #tpu.memory_space<hbm>>
      tpu.wait_indirect_dma semaphore(%arg13 : memref<!tpu.dma_semaphore, #tpu.memory_space<semaphore_mem>>) src(%dma_wait3A_167 : memref<100000x128xf32, #tpu.memory_space<hbm>>) dst(%arg9 : memref<128x128xf32, #tpu.memory_space<vmem>>)
      %mul3A_168 = arith.constant 128 : i32
      %mul3A_169 = arith.muli %add3A_161, %mul3A_168 : i32
      %add3A_170 = arith.addi %mul3A_2, %mul3A_169 : i32
      %dma_start3A_171 = arith.constant 0 : i32
      %dma_start3A_172 = tpu.memref_slice %arg4[%add3A_170, %dma_start3A_171] : memref<204800x128xf32, #tpu.memory_space<hbm>> -> memref<128x128xf32, #tpu.memory_space<hbm>>
      %dma_start3A_173 = arith.constant 0 : i32
      %dma_start3A_174 = tpu.memref_slice %arg4[%add3A_170, %dma_start3A_173] : memref<204800x128xf32, #tpu.memory_space<hbm>> -> memref<128x128xf32, #tpu.memory_space<hbm>>
      tpu.enqueue_dma source(%arg9 : memref<128x128xf32, #tpu.memory_space<vmem>>) target(%dma_start3A_174 : memref<128x128xf32, #tpu.memory_space<hbm>>) target_semaphore(%arg17 : memref<!tpu.dma_semaphore, #tpu.memory_space<semaphore_mem>>)
      %ge3A_175 = arith.constant 2 : i32
      %ge3A_176 = arith.cmpi sge, %add3A_161, %ge3A_175 : i32
      %convert_element_type3A_177 = arith.extui %ge3A_176 : i1 to i32
      %cond3A_178 = arith.constant 0 : i32
      %cond3A_179 = arith.cmpi ne, %convert_element_type3A_177, %cond3A_178 : i32
      scf.if %cond3A_179 {
        %sub3A = arith.constant 2 : i32
        %sub3A_188 = arith.subi %add3A_161, %sub3A : i32
        %mul3A_189 = arith.constant 128 : i32
        %mul3A_190 = arith.muli %sub3A_188, %mul3A_189 : i32
        %add3A_191 = arith.addi %mul3A_2, %mul3A_190 : i32
        %dma_wait3A_192 = arith.constant 0 : i32
        %dma_wait3A_193 = tpu.memref_slice %arg4[%add3A_191, %dma_wait3A_192] : memref<204800x128xf32, #tpu.memory_space<hbm>> -> memref<128x128xf32, #tpu.memory_space<hbm>>
        %dma_wait3A_194 = arith.constant 0 : i32
        %dma_wait3A_195 = tpu.memref_slice %arg4[%add3A_191, %dma_wait3A_194] : memref<204800x128xf32, #tpu.memory_space<hbm>> -> memref<128x128xf32, #tpu.memory_space<hbm>>
        tpu.wait_dma2 semaphore(%arg15 : memref<!tpu.dma_semaphore, #tpu.memory_space<semaphore_mem>>) src(%arg7 : memref<128x128xf32, #tpu.memory_space<vmem>>) dst(%dma_wait3A_195 : memref<128x128xf32, #tpu.memory_space<hbm>>)
      } else {
      }
      %add3A_180 = arith.constant 2 : i32
      %add3A_181 = arith.addi %add3A_161, %add3A_180 : i32
      %dma_start3A_182 = arith.constant 0 : i32
      %dma_start3A_183 = tpu.memref_slice %arg5[%add3A_181, %dma_start3A_182] : memref<50x128xi32, #tpu.memory_space<vmem>> -> memref<1x128xi32, #tpu.memory_space<vmem>>
      %dma_start3A_184 = tpu.memref_squeeze %dma_start3A_183 : memref<1x128xi32, #tpu.memory_space<vmem>> -> memref<128xi32, #tpu.memory_space<vmem>>
      %dma_start3A_185 = arith.constant 0 : i32
      %dma_start3A_186 = arith.constant 0 : i32
      %dma_start3A_187 = tpu.memref_slice %arg3[%dma_start3A_185, %dma_start3A_186] : memref<100000x128xf32, #tpu.memory_space<hbm>> -> memref<100000x128xf32, #tpu.memory_space<hbm>>
      tpu.enqueue_indirect_dma source(%dma_start3A_187 : memref<100000x128xf32, #tpu.memory_space<hbm>>) target(%arg7 : memref<128x128xf32, #tpu.memory_space<vmem>>) offsets(%dma_start3A_184 : memref<128xi32, #tpu.memory_space<vmem>>) semaphore(%arg11 : memref<!tpu.dma_semaphore, #tpu.memory_space<semaphore_mem>>)
    }
    %scan3A_20 = arith.constant 12 : i32
    %dma_wait3A = arith.constant 48 : i32
    %dma_wait3A_21 = arith.constant 0 : i32
    %dma_wait3A_22 = tpu.memref_slice %arg5[%dma_wait3A, %dma_wait3A_21] : memref<50x128xi32, #tpu.memory_space<vmem>> -> memref<1x128xi32, #tpu.memory_space<vmem>>
    %dma_wait3A_23 = tpu.memref_squeeze %dma_wait3A_22 : memref<1x128xi32, #tpu.memory_space<vmem>> -> memref<128xi32, #tpu.memory_space<vmem>>
    %dma_wait3A_24 = arith.constant 0 : i32
    %dma_wait3A_25 = arith.constant 0 : i32
    %dma_wait3A_26 = tpu.memref_slice %arg3[%dma_wait3A_24, %dma_wait3A_25] : memref<100000x128xf32, #tpu.memory_space<hbm>> -> memref<100000x128xf32, #tpu.memory_space<hbm>>
    tpu.wait_indirect_dma semaphore(%arg10 : memref<!tpu.dma_semaphore, #tpu.memory_space<semaphore_mem>>) src(%dma_wait3A_26 : memref<100000x128xf32, #tpu.memory_space<hbm>>) dst(%arg6 : memref<128x128xf32, #tpu.memory_space<vmem>>)
    %add3A_27 = arith.constant 6144 : i32
    %add3A_28 = arith.addi %mul3A_2, %add3A_27 : i32
    %dma_start3A_29 = arith.constant 0 : i32
    %dma_start3A_30 = tpu.memref_slice %arg4[%add3A_28, %dma_start3A_29] : memref<204800x128xf32, #tpu.memory_space<hbm>> -> memref<128x128xf32, #tpu.memory_space<hbm>>
    %dma_start3A_31 = arith.constant 0 : i32
    %dma_start3A_32 = tpu.memref_slice %arg4[%add3A_28, %dma_start3A_31] : memref<204800x128xf32, #tpu.memory_space<hbm>> -> memref<128x128xf32, #tpu.memory_space<hbm>>
    tpu.enqueue_dma source(%arg6 : memref<128x128xf32, #tpu.memory_space<vmem>>) target(%dma_start3A_32 : memref<128x128xf32, #tpu.memory_space<hbm>>) target_semaphore(%arg14 : memref<!tpu.dma_semaphore, #tpu.memory_space<semaphore_mem>>)
    %add3A_33 = arith.constant 5888 : i32
    %add3A_34 = arith.addi %mul3A_2, %add3A_33 : i32
    %dma_wait3A_35 = arith.constant 0 : i32
    %dma_wait3A_36 = tpu.memref_slice %arg4[%add3A_34, %dma_wait3A_35] : memref<204800x128xf32, #tpu.memory_space<hbm>> -> memref<128x128xf32, #tpu.memory_space<hbm>>
    %dma_wait3A_37 = arith.constant 0 : i32
    %dma_wait3A_38 = tpu.memref_slice %arg4[%add3A_34, %dma_wait3A_37] : memref<204800x128xf32, #tpu.memory_space<hbm>> -> memref<128x128xf32, #tpu.memory_space<hbm>>
    tpu.wait_dma2 semaphore(%arg16 : memref<!tpu.dma_semaphore, #tpu.memory_space<semaphore_mem>>) src(%arg8 : memref<128x128xf32, #tpu.memory_space<vmem>>) dst(%dma_wait3A_38 : memref<128x128xf32, #tpu.memory_space<hbm>>)
    %dma_wait3A_39 = arith.constant 49 : i32
    %dma_wait3A_40 = arith.constant 0 : i32
    %dma_wait3A_41 = tpu.memref_slice %arg5[%dma_wait3A_39, %dma_wait3A_40] : memref<50x128xi32, #tpu.memory_space<vmem>> -> memref<1x128xi32, #tpu.memory_space<vmem>>
    %dma_wait3A_42 = tpu.memref_squeeze %dma_wait3A_41 : memref<1x128xi32, #tpu.memory_space<vmem>> -> memref<128xi32, #tpu.memory_space<vmem>>
    %dma_wait3A_43 = arith.constant 0 : i32
    %dma_wait3A_44 = arith.constant 0 : i32
    %dma_wait3A_45 = tpu.memref_slice %arg3[%dma_wait3A_43, %dma_wait3A_44] : memref<100000x128xf32, #tpu.memory_space<hbm>> -> memref<100000x128xf32, #tpu.memory_space<hbm>>
    tpu.wait_indirect_dma semaphore(%arg11 : memref<!tpu.dma_semaphore, #tpu.memory_space<semaphore_mem>>) src(%dma_wait3A_45 : memref<100000x128xf32, #tpu.memory_space<hbm>>) dst(%arg7 : memref<128x128xf32, #tpu.memory_space<vmem>>)
    %add3A_46 = arith.constant 6272 : i32
    %add3A_47 = arith.addi %mul3A_2, %add3A_46 : i32
    %dma_start3A_48 = arith.constant 0 : i32
    %dma_start3A_49 = tpu.memref_slice %arg4[%add3A_47, %dma_start3A_48] : memref<204800x128xf32, #tpu.memory_space<hbm>> -> memref<128x128xf32, #tpu.memory_space<hbm>>
    %dma_start3A_50 = arith.constant 0 : i32
    %dma_start3A_51 = tpu.memref_slice %arg4[%add3A_47, %dma_start3A_50] : memref<204800x128xf32, #tpu.memory_space<hbm>> -> memref<128x128xf32, #tpu.memory_space<hbm>>
    tpu.enqueue_dma source(%arg7 : memref<128x128xf32, #tpu.memory_space<vmem>>) target(%dma_start3A_51 : memref<128x128xf32, #tpu.memory_space<hbm>>) target_semaphore(%arg15 : memref<!tpu.dma_semaphore, #tpu.memory_space<semaphore_mem>>)
    %add3A_52 = arith.constant 6016 : i32
    %add3A_53 = arith.addi %mul3A_2, %add3A_52 : i32
    %dma_wait3A_54 = arith.constant 0 : i32
    %dma_wait3A_55 = tpu.memref_slice %arg4[%add3A_53, %dma_wait3A_54] : memref<204800x128xf32, #tpu.memory_space<hbm>> -> memref<128x128xf32, #tpu.memory_space<hbm>>
    %dma_wait3A_56 = arith.constant 0 : i32
    %dma_wait3A_57 = tpu.memref_slice %arg4[%add3A_53, %dma_wait3A_56] : memref<204800x128xf32, #tpu.memory_space<hbm>> -> memref<128x128xf32, #tpu.memory_space<hbm>>
    tpu.wait_dma2 semaphore(%arg17 : memref<!tpu.dma_semaphore, #tpu.memory_space<semaphore_mem>>) src(%arg9 : memref<128x128xf32, #tpu.memory_space<vmem>>) dst(%dma_wait3A_57 : memref<128x128xf32, #tpu.memory_space<hbm>>)
    %add3A_58 = arith.constant 6144 : i32
    %add3A_59 = arith.addi %mul3A_2, %add3A_58 : i32
    %dma_wait3A_60 = arith.constant 0 : i32
    %dma_wait3A_61 = tpu.memref_slice %arg4[%add3A_59, %dma_wait3A_60] : memref<204800x128xf32, #tpu.memory_space<hbm>> -> memref<128x128xf32, #tpu.memory_space<hbm>>
    %dma_wait3A_62 = arith.constant 0 : i32
    %dma_wait3A_63 = tpu.memref_slice %arg4[%add3A_59, %dma_wait3A_62] : memref<204800x128xf32, #tpu.memory_space<hbm>> -> memref<128x128xf32, #tpu.memory_space<hbm>>
    tpu.wait_dma2 semaphore(%arg14 : memref<!tpu.dma_semaphore, #tpu.memory_space<semaphore_mem>>) src(%arg6 : memref<128x128xf32, #tpu.memory_space<vmem>>) dst(%dma_wait3A_63 : memref<128x128xf32, #tpu.memory_space<hbm>>)
    %add3A_64 = arith.constant 6272 : i32
    %add3A_65 = arith.addi %mul3A_2, %add3A_64 : i32
    %dma_wait3A_66 = arith.constant 0 : i32
    %dma_wait3A_67 = tpu.memref_slice %arg4[%add3A_65, %dma_wait3A_66] : memref<204800x128xf32, #tpu.memory_space<hbm>> -> memref<128x128xf32, #tpu.memory_space<hbm>>
    %dma_wait3A_68 = arith.constant 0 : i32
    %dma_wait3A_69 = tpu.memref_slice %arg4[%add3A_65, %dma_wait3A_68] : memref<204800x128xf32, #tpu.memory_space<hbm>> -> memref<128x128xf32, #tpu.memory_space<hbm>>
    tpu.wait_dma2 semaphore(%arg15 : memref<!tpu.dma_semaphore, #tpu.memory_space<semaphore_mem>>) src(%arg7 : memref<128x128xf32, #tpu.memory_space<vmem>>) dst(%dma_wait3A_69 : memref<128x128xf32, #tpu.memory_space<hbm>>)
    return
  }
}

</mosaic_0001>

<sc_bundles>
// kernel: kernel.3.cloned.1.call-start
scs
__scs_entry_jumppad:
0x0: {  	(pc) =	sbr.rel $0x88, $3  }
0x1: {  	(tag) =	ssettag $0x0;
	lr =	simm.s32 $0x1  }
0x2: {  	[smem:$0x3F9F] =	sst lr;
	_ =	strace $0xD0000000  }
0x3: {  	_ = 	snop  }
0x4: {  	_ = 	snop  }
0x5: {  	_ = 	snop  }
0x6: {  	_ = 	snop  }
0x7: {  	_ = 	snop  }
__scs_overlays_trampoline_lowered:
0x8: {  	[smem:$0x3FAE] =	sst s0  }
0x9: {  	[smem:$0x3FAF] =	sst s1  }
0xa: {  	[smem:$0x3FB0] =	sst s2  }
0xb: {  	[smem:$0x3FB1] =	sst s3  }
0xc: {  	[smem:$0x3FB2] =	sst s4  }
0xd: {  	[smem:$0x3FB3] =	sst s5  }
0xe: {  	[smem:$0x3FB4] =	sst s6  }
0xf: {  	[smem:$0x3FB5] =	sst s7  }
0x10: {  	[smem:$0x3FB6] =	sst s8  }
0x11: {  	[smem:$0x3FB7] =	sst s9;
	s0 =	simm.s32 @!p0 $0x0  }
0x12: {  	s1 =	sld [smem:$0x3F9D];
	s0 =	simm.s32 @p0 $0x1  }
0x13: {  	[smem:$0x3FB8] =	sst s0;
	s0 =	simm.s32 @!p1 $0x0  }
0x14: {  	s2 =	sld [smem:$0x3F9C];
	s0 =	simm.s32 @p1 $0x1  }
0x15: {  	[smem:$0x3FB9] =	sst s0;
	s0 =	simm.s32 @!p2 $0x0  }
0x16: {  	s3 =	sld [smem:$0x3FDB];
	s0 =	simm.s32 @p2 $0x1  }
0x17: {  	s4 =	simm.s32 $0x1BF5;
	[smem:$0x3FBB] =	sst s0  }
0x18: {  	s0 =	sld [smem:$0x3F9E];
	_ =	swait.ge [sflag:s4], $0x0  }
0x19: {  	s7 =	sld [smem:$0x3F9F]  }
0x1a: {  	s8 =	sadd.s32 $0xFFFFE003, lr  }
0x1b: {  	s9 =	sadd.s32 $0xFFFFFEF7, lr;
	s5 =	simm.s32 $0xFFFFFFFF;
	p2 =	slt.u32 s8, $0xFFFFF086  }
0x1c: {  	p1 =	slt.u32 s9, $0xF7A;
	s5 =	simm.s32 @!p2 $0x0  }
0x1d: {  	s5 =	simm.s32 @p1 $0x1;
	p0 =	seq.s32 s7, s2  }
0x1e: {  	s7 =	smul.u32 @!p0 $0xF7A, s2;
	p2 =	seq.s32 @!p0 s5, $0x0  }
0x1f: {  	s9 =	smul.u32 $0xF7A, s1;
	s8 =	simm.s32 @!p0 $0x1BF5;
	p2 =	por !p2, p0  }
0x20: {  	[sflag:s8] =	ssyncset.s32 @!p0 $0xFFFFF086;
	s6 =	sadd.s32 @!p0 s3, s7;
	s7 =	simm.s32 @!p0 $0x108  }
0x21: {  	s3 =	sadd.s32 s3, s9;
	s6 =	sadd.s32 @!p0 $0x88, s6;
	s7 =	simm.s32 @p2 $0x1082  }
0x22: {  	[simem:s7], [sflag:s8] =	dma.local @!p0 [hbm:s6], $0xF7A  }
0x23: {  	s9 =	sor.u32 $0xD0000000, s2;
	s6 =	simm.s32 $0x108;
	_ =	swait.ge @!p0 [sflag:s8], $0x0  }
0x24: {  	s3 =	sadd.s32 $0x88, s3;
	s6 =	simm.s32 @!p1 $0x1082;
	[sflag:s4] =	ssyncset.s32 $0xFFFFF086  }
0x25: {  	[simem:s6], [sflag:s4] =	dma.local [hbm:s3], $0xF7A  }
0x26: {  	[smem:$0x3F9F] =	sst s1;
	(tag) =	ssettag s2;
	_ =	strace s9  }
0x27: {  	s1 =	sld [smem:$0x3FAF]  }
0x28: {  	s2 =	sld [smem:$0x3FB0]  }
0x29: {  	s4 =	sld [smem:$0x3FB2]  }
0x2a: {  	p0 =	seq.s32 s5, $0x0;
	s5 =	sld [smem:$0x3FB3]  }
0x2b: {  	s6 =	sld [smem:$0x3FB4]  }
0x2c: {  	s7 =	sld [smem:$0x3FB5]  }
0x2d: {  	s3 =	simm.s32 $0x108;
	s8 =	sld [smem:$0x3FB6]  }
0x2e: {  	s3 =	simm.s32 @!p0 $0x1082;
	s9 =	sld [smem:$0x3FB7]  }
0x2f: {  	lr =	sadd.s32 s0, s3;
	s0 =	sld [smem:$0x3FAE]  }
0x30: {  	s3 =	sld [smem:$0x3FB1]  }
0x31: {  	[smem:$0x3FBA] =	sst s10  }
0x32: {  	s10 =	sld [smem:$0x3FB8];
	_ =	sdelay $0x3  }
0x33: {  	p0 =	seq.s32 s10, $0x1;
	s10 =	sld [smem:$0x3FBA];
	_ =	sdelay $0x3  }
0x34: {  	[smem:$0x3FBA] =	sst s10  }
0x35: {  	s10 =	sld [smem:$0x3FB9];
	_ =	sdelay $0x3  }
0x36: {  	p1 =	seq.s32 s10, $0x1;
	s10 =	sld [smem:$0x3FBA];
	_ =	sdelay $0x3  }
0x37: {  	[smem:$0x3FBA] =	sst s10  }
0x38: {  	s10 =	sld [smem:$0x3FBB]  }
0x39: {  	_ = 	snop;
	(pc) =	sbr.ind lr, $3  }
0x3a: {  	_ = 	snop  }
0x3b: {  	_ = 	snop  }
0x3c: {  	p2 =	seq.s32 s10, $0x1;
	s10 =	sld [smem:$0x3FBA]  }
0x3d: {  	_ =	shalt  }
0x3e: {  	_ =	shalt  }
0x3f: {  	_ =	shalt  }
0x40: {  	_ =	shalt  }
0x41: {  	_ =	shalt  }
0x42: {  	_ =	shalt  }
0x43: {  	_ =	shalt  }
0x44: {  	_ =	shalt  }
0x45: {  	_ =	shalt  }
0x46: {  	_ =	shalt  }
0x47: {  	_ =	shalt  }
0x48: {  	_ =	shalt  }
0x49: {  	_ =	shalt  }
0x4a: {  	_ =	shalt  }
0x4b: {  	_ =	shalt  }
0x4c: {  	_ =	shalt  }
0x4d: {  	_ =	shalt  }
0x4e: {  	_ =	shalt  }
0x4f: {  	_ =	shalt  }
0x50: {  	_ =	shalt  }
0x51: {  	_ =	shalt  }
0x52: {  	_ =	shalt  }
0x53: {  	_ =	shalt  }
0x54: {  	_ =	shalt  }
0x55: {  	_ =	shalt  }
0x56: {  	_ =	shalt  }
0x57: {  	_ =	shalt  }
0x58: {  	_ =	shalt  }
0x59: {  	_ =	shalt  }
0x5a: {  	_ =	shalt  }
0x5b: {  	_ =	shalt  }
0x5c: {  	_ =	shalt  }
0x5d: {  	_ =	shalt  }
0x5e: {  	_ =	shalt  }
0x5f: {  	_ =	shalt  }
0x60: {  	_ =	shalt  }
0x61: {  	_ =	shalt  }
0x62: {  	_ =	shalt  }
0x63: {  	_ =	shalt  }
0x64: {  	_ =	shalt  }
0x65: {  	_ =	shalt  }
0x66: {  	_ =	shalt  }
0x67: {  	_ =	shalt  }
0x68: {  	_ =	shalt  }
0x69: {  	_ =	shalt  }
0x6a: {  	_ =	shalt  }
0x6b: {  	_ =	shalt  }
0x6c: {  	_ =	shalt  }
0x6d: {  	_ =	shalt  }
0x6e: {  	_ =	shalt  }
0x6f: {  	_ =	shalt  }
0x70: {  	_ =	shalt  }
0x71: {  	_ =	shalt  }
0x72: {  	_ =	shalt  }
0x73: {  	_ =	shalt  }
0x74: {  	_ =	shalt  }
0x75: {  	_ =	shalt  }
0x76: {  	_ =	shalt  }
0x77: {  	_ =	shalt  }
0x78: {  	_ =	shalt  }
0x79: {  	_ =	shalt  }
0x7a: {  	_ =	shalt  }
0x7b: {  	_ =	shalt  }
0x7c: {  	_ =	shalt  }
0x7d: {  	_ =	shalt  }
0x7e: {  	_ =	shalt  }
0x7f: {  	_ =	shalt  }
0x80: {  	_ =	shalt  }
0x81: {  	_ =	shalt  }
0x82: {  	_ =	shalt  }
0x83: {  	_ =	shalt  }
0x84: {  	_ =	shalt  }
0x85: {  	_ =	shalt  }
0x86: {  	_ =	shalt  }
0x87: {  	_ =	shalt  }
.Lfunc_end0:
.L_simem_size_0:
called_computation_lowered:
.L_overlay_start_0:
0x88: {  	s2 =	sld [smem:$0x3FD9]  }
0x89: {  	s3 =	sld [smem:$0x3FFE];
	_ =	sdelay $0x1  }
0x8a: {  	s1 =	srdreg.scid  }
0x8b: {  	s0 =	sand.u32 $0x1, s1  }
0x8c: {  	s17 =	sshll.u32 s0, $0xA;
	s2 =	sadd.s32 s3, s2  }
0x8d: {  	s2 =	sadd.s32 s2, s17  }
0x8e: {  	[smem:$0x3FC6] =	sst s2  }
0x8f: {  	_ = 	snop  }
0x90: {  	s2 =	sld [smem:$0x3FC8]  }
0x91: {  	s18 =	sld [smem:$0x3FD0];
	(tm) =	ssettm $0x1  }
0x92: {  	s4 =	sld [smem:$0x3FFB];
	_ =	sdelay $0x3  }
0x93: {  	_ =	strace s4  }
0x94: {  	s4 =	sld [smem:$0x3FFC];
	_ =	sdelay $0x3  }
0x95: {  	_ =	strace s4  }
0x96: {  	s4 =	sld [smem:$0x3FFD];
	_ =	sdelay $0x3  }
0x97: {  	_ =	strace s4  }
0x98: {  	_ =	strace $0x8FFFFFFF  }
0x99: {  	s19 =	sld [smem:$0x3FDB];
	_ =	sdelay $0x1  }
0x9a: {  	s5 =	simm.s32 $_scs_section_size  }
0x9b: {  	s6 =	simm.s32 $_size__tile_overlayer_lowered;
	s7 =	simm.s32 $_tile_overlayer_lowered  }
0x9c: {  	s22 =	simm.s32 $0x1BFF;
	s21 =	sshll.u32 s7, $0x1;
	s4 =	sadd.s32 s5, s19  }
0x9d: {  	s8 =	simm.s32 $0x0;
	s20 =	sshll.u32 s6, $0x1;
	s6 =	sadd.s32 s21, s4  }
0x9e: {  	[timem:s8], [sflag:s22] =	dma.local [hbm:s6], s20  }
0x9f: {  	_ =	swait.ge [sflag:s22], s20  }
0xa0: {  	s5 =	ssub.s32 $0x0, s20;
	[sflag:s22] =	ssyncset.done $0x0  }
0xa1: {  	[sflag:s22] =	ssyncadd.s32 s5;
	_ =	sdelay $0x1  }
0xa2: {  	s23 =	simm.s32 $0x1B8B  }
0xa3: {  	_ =	swait.ge [sflag:s23], $0x1  }
0xa4: {  	[sflag:s23] =	ssyncset.done $0x0  }
0xa5: {  	s25 =	simm.s32 $0x1B8E;
	s24 =	sld [smem:$0x3FFE];
	[sflag:s23] =	ssyncadd.s32 $0xFFFFFFFF  }
0xa6: {  	s26 =	simm.s32 $execute0_lowered;
	[smem:$0x3FD2] =	sst s25  }
0xa7: {  	s6 =	sshll.u32 s26, $0x1;
	_ =	strace $0x80000046;
	[dreg:$0x1] =	wrdreg $0xFFFFFFFF  }
0xa8: {  	s28 =	simm.s32 $_size_execute0_lowered;
	s4 =	sadd.s32 s4, s6;
	[dreg:$0x0] =	wrdreg $0x0  }
0xa9: {  	s6 =	sshll.u32 s28, $0x1;
	[dreg:$0x2] =	wrdreg s4  }
0xaa: {  	[dreg:$0x3] =	wrdreg s6  }
0xab: {  	[dreg:$0x4] =	wrdreg $0xC0  }
0xac: {  	_ =	task [dreg:s8], $0x5FFFF  }
0xad: {  	[dreg:$0x1] =	wrdreg $0xFFFFFFFF  }
0xae: {  	[dreg:$0x0] =	wrdreg $0x60  }
0xaf: {  	[dreg:$0x2] =	wrdreg s24  }
0xb0: {  	[dreg:$0x3] =	wrdreg s2  }
0xb1: {  	[dreg:$0x4] =	wrdreg s18  }
0xb2: {  	[dreg:$0x5] =	wrdreg $0x9  }
0xb3: {  	_ =	task.clear_ibuf [dreg:s8], $0x6FFFF;
	_ =	strace $0x90000046  }
0xb4: {  	s29 =	simm.s32 $0x9;
	_ =	strace $0x80000048  }
0xb5: {  	_ =	swait.ge [sflag:s29], $0x1  }
0xb6: {  	[sflag:s29] =	ssyncadd.s32 $0xFFFFFFFF  }
0xb7: {  	_ =	strace $0x90000048  }
0xb8: {  	_ =	sfence  }
0xb9: {  	s30 =	sld [smem:$0x0];
	_ =	sdelay $0x2  }
0xba: {  	s31 =	sshll.u32 s1, $0xD;
	s1 =	sshrl.u32 s1, $0x2  }
0xbb: {  	s3 =	sand.u32 $0x4000, s31;
	s1 =	sadd.s32 s1, s30  }
0xbc: {  	s0 =	sor.u32 s3, s0;
	s1 =	sshll.u32 s1, $0x11  }
0xbd: {  	s0 =	sor.u32 s1, s0  }
0xbe: {  	s0 =	sadd.s32 $0x8F2B, s0  }
0xbf: {  	[sflag:s0] =	ssyncadd.remote.s32 $0x1  }
0xc0: {  	_ =	sfence.sel $0xFFFF  }
0xc1: {  	[dreg:$0x0] =	wrdreg $0xFFFFFFFF;
	(pc) =	sbr.abs _section_cstart, $3  }
0xc2: {  	[dreg:$0x1] =	wrdreg $0xFFFFFFFF  }
0xc3: {  	_ =	task.clear_ibuf [dreg:s8], $0x2FFFF;
	_ =	strace $0x9FFFFFFF  }
0xc4: {  	(tm) =	ssettm $0x7FFFFFFF  }
0xc5: {  	_ =	shalt  }
tec
execute0_lowered:
.L_overlay_start_1:
0x0: {  	(tag) =	ssettag $0x1  }
0x1: {  	s0 =	rddreg [dreg:$0x0];
	s1 =	srdreg.scid  }
0x2: {  	s9 =	stileid.u32;
	s2 =	rddreg [dreg:$0x1]  }
0x3: {  	s3 =	rddreg [dreg:$0x2];
	s16 =	simm.s32 $0x9;
	s17 =	simm.s32 $0x80  }
0x4: {  	s18 =	simm.s32 $0x1C00;
	s19 =	simm.s32 $0x5C00;
	s23 =	smul.u32 $0x32000, s9  }
0x5: {  	s20 =	simm.s32 $0x1;
	s1 =	sand.u32 $0x1, s1;
	s11 =	smul.u32 $0x190000, s9  }
0x6: {  	s28 =	simm.s32 $0x5;
	s4 =	sshll.u32 s9, $0x1;
	s12 =	smul.u32 $0xC8000, s1  }
0x7: {  	s5 =	sor.u32 s1, s4;
	s7 =	ssub.s32 $0x2, s1;
	s1 =	smul.u32 $0x19000, s1  }
0x8: {  	s30 =	simm.s32 $0x4;
	s4 =	simm.s32 $0x0;
	s6 =	smul.u32 $0x380, s5  }
0x9: {  	s31 =	simm.s32 $0x6;
	[smem:$0x7FF] =	sst s4;
	s8 =	smul.u32 $0xC8000, s5  }
0xa: {  	s21 =	sshrl.u32 s7, $0x1;
	s5 =	smul.u32 $0x19000, s5;
	_ =	strace $0x80000047  }
0xb: {  	s7 =	ssub.s32 s7, s21;
	s25 =	sadd.s32 s12, s11;
	s21 =	simm.s32 $0x8  }
0xc: {  	s0 =	sadd.s32 s6, s0;
	s22 =	sshrl.u32 s8, $0x3;
	s8 =	sor.u32 $0x4000, s8  }
0xd: {  	s7 =	smax.u32 s7, $0x1;
	s5 =	sadd.s32 s3, s5;
	s26 =	sadd.s32 $0x14000, s25  }
0xe: {  	s15 =	sadd.s32 $0x10000, s25;
	s25 =	simm.s32 $0xDC00;
	s0 =	sadd.s32 $0x400, s0  }
0xf: {  	s6 =	sadd.s32 s3, s22;
	s8 =	sshrl.u32 s8, $0x3;
	[dreg:$0x7] =	wrdreg s7  }
0x10: {  	s11 =	sadd.s32 $0x1000, s5;
	s12 =	sadd.s32 $0x1800, s5;
	s29 =	sshrl.u32 s26, $0x3  }
0x11: {  	s22 =	simm.s32 $0x9C00;
	s26 =	simm.s32 $0x3;
	[dreg:$0x4] =	wrdreg s0  }
0x12: {  	s10 =	sadd.s32 $0x18000, s6;
	s24 =	sadd.s32 $0x18800, s6;
	s0 =	sadd.s32 s23, s3  }
0x13: {  	s14 =	sadd.s32 s29, s3;
	s23 =	simm.s32 $0x2;
	[dreg:$0x5] =	wrdreg s10  }
0x14: {  	[dreg:$0x6] =	wrdreg s24;
	s10 =	sadd.s32 s3, s8;
	s0 =	sadd.s32 s1, s0  }
0x15: {  	s24 =	simm.s32 $0x0;
	s13 =	sadd.s32 $0x3800, s0;
	s0 =	simm.s32 $0x7  }
.LBB2_1:
0x16: {  	s1 =	rddreg [dreg:$0x4]  }
0x17: {  	[tilespmem:s4], [sflag:$0x9] =	stream.linear.gather [hbm4b:s1+s4], $0x1900, $0x38;
	[tilespmem:$0x11C00] =	vst v63  }
0x18: {  	_ =	swait.ge [sflag:s16], $0x1900  }
0x19: {  	[sflag:s16] =	ssyncset.done $0x0  }
0x1a: {  	[sflag:s16] =	ssyncadd.s32 $0xFFFFE700  }
0x1b: {  	[tilespmem:s18], [sflag:$0x1] =	stream.indirect.gather [hbm4b:s2+s17], $0x80, s4, s17, $0xb8;
	[tilespmem:$0x11C00] =	vst v63  }
0x1c: {  	_ = 	snop  }
0x1d: {  	[tilespmem:s19], [sflag:$0x2] =	stream.indirect.gather [hbm4b:s2+s17], $0x80, s17, s17, $0xb8;
	[tilespmem:$0x11C00] =	vst v63  }
0x1e: {  	_ =	swait.ge [sflag:s20], $0x4000  }
0x1f: {  	[sflag:s20] =	ssyncset.done $0x0  }
0x20: {  	[sflag:s20] =	ssyncadd.s32 $0xFFFFC000  }
0x21: {  	[hbm4b:s6+s4] =	stream.linear.scatter [tilespmem:s18], [sflag:$0x5], $0x4000, $0x38;
	[tilespmem:$0x11C00] =	vst v63  }
0x22: {  	s9 =	simm.s32 $0x100  }
0x23: {  	[tilespmem:s22], [sflag:$0x3] =	stream.indirect.gather [hbm4b:s2+s17], $0x80, s9, s17, $0xb8;
	[tilespmem:$0x11C00] =	vst v63  }
0x24: {  	_ =	swait.ge [sflag:s23], $0x4000  }
0x25: {  	[sflag:s23] =	ssyncset.done $0x0  }
0x26: {  	[sflag:s23] =	ssyncadd.s32 $0xFFFFC000  }
0x27: {  	[hbm4b:s10+s4] =	stream.linear.scatter [tilespmem:s19], [sflag:$0x6], $0x4000, $0x38;
	[tilespmem:$0x11C00] =	vst v63  }
0x28: {  	s5 =	simm.s32 $0x180  }
0x29: {  	[tilespmem:s25], [sflag:$0x4] =	stream.indirect.gather [hbm4b:s2+s17], $0x80, s5, s17, $0xb8;
	[tilespmem:$0x11C00] =	vst v63  }
0x2a: {  	_ =	swait.ge [sflag:s26], $0x4000  }
0x2b: {  	[sflag:s26] =	ssyncset.done $0x0  }
0x2c: {  	[sflag:s26] =	ssyncadd.s32 $0xFFFFC000  }
0x2d: {  	[hbm4b:s11+s4] =	stream.linear.scatter [tilespmem:s22], [sflag:$0x7], $0x4000, $0x38;
	[tilespmem:$0x11C00] =	vst v63  }
0x2e: {  	_ =	swait.ge [sflag:s28], $0x4000  }
0x2f: {  	[sflag:s28] =	ssyncset.done $0x0  }
0x30: {  	s7 =	simm.s32 $0x200;
	[sflag:s28] =	ssyncadd.s32 $0xFFFFC000  }
0x31: {  	[tilespmem:s18], [sflag:$0x1] =	stream.indirect.gather [hbm4b:s2+s17], $0x80, s7, s17, $0xb8;
	[tilespmem:$0x11C00] =	vst v63  }
0x32: {  	_ =	swait.ge [sflag:s30], $0x4000  }
0x33: {  	[sflag:s30] =	ssyncset.done $0x0  }
0x34: {  	[sflag:s30] =	ssyncadd.s32 $0xFFFFC000  }
0x35: {  	[hbm4b:s12+s4] =	stream.linear.scatter [tilespmem:s25], [sflag:$0x8], $0x4000, $0x38;
	[tilespmem:$0x11C00] =	vst v63  }
0x36: {  	_ =	swait.ge [sflag:s31], $0x4000  }
0x37: {  	[sflag:s31] =	ssyncset.done $0x0  }
0x38: {  	s8 =	simm.s32 $0x280;
	[sflag:s31] =	ssyncadd.s32 $0xFFFFC000  }
0x39: {  	[tilespmem:s19], [sflag:$0x2] =	stream.indirect.gather [hbm4b:s2+s17], $0x80, s8, s17, $0xb8;
	[tilespmem:$0x11C00] =	vst v63  }
0x3a: {  	_ =	swait.ge [sflag:s20], $0x4000  }
0x3b: {  	s9 =	sshrl.u32 s15, $0x3;
	[sflag:s20] =	ssyncset.done $0x0  }
0x3c: {  	s1 =	sadd.s32 s3, s9;
	[sflag:s20] =	ssyncadd.s32 $0xFFFFC000  }
0x3d: {  	[hbm4b:s1+s4] =	stream.linear.scatter [tilespmem:s18], [sflag:$0x5], $0x4000, $0x38;
	[tilespmem:$0x11C00] =	vst v63  }
0x3e: {  	_ =	swait.ge [sflag:s0], $0x4000  }
0x3f: {  	[sflag:s0] =	ssyncset.done $0x0  }
0x40: {  	s5 =	simm.s32 $0x300;
	[sflag:s0] =	ssyncadd.s32 $0xFFFFC000  }
0x41: {  	[tilespmem:s22], [sflag:$0x3] =	stream.indirect.gather [hbm4b:s2+s17], $0x80, s5, s17, $0xb8;
	[tilespmem:$0x11C00] =	vst v63  }
0x42: {  	_ =	swait.ge [sflag:s23], $0x4000  }
0x43: {  	[sflag:s23] =	ssyncset.done $0x0  }
0x44: {  	[sflag:s23] =	ssyncadd.s32 $0xFFFFC000  }
0x45: {  	[hbm4b:s14+s4] =	stream.linear.scatter [tilespmem:s19], [sflag:$0x6], $0x4000, $0x38;
	[tilespmem:$0x11C00] =	vst v63  }
0x46: {  	_ =	swait.ge [sflag:s21], $0x4000  }
0x47: {  	[sflag:s21] =	ssyncset.done $0x0  }
0x48: {  	s7 =	simm.s32 $0x380;
	[sflag:s21] =	ssyncadd.s32 $0xFFFFC000  }
0x49: {  	[tilespmem:s25], [sflag:$0x4] =	stream.indirect.gather [hbm4b:s2+s17], $0x80, s7, s17, $0xb8;
	[tilespmem:$0x11C00] =	vst v63  }
0x4a: {  	_ =	swait.ge [sflag:s26], $0x4000  }
0x4b: {  	[sflag:s26] =	ssyncset.done $0x0  }
0x4c: {  	s8 =	sadd.s32 $0xFFFFF800, s13;
	[sflag:s26] =	ssyncadd.s32 $0xFFFFC000  }
0x4d: {  	[hbm4b:s8+s4] =	stream.linear.scatter [tilespmem:s22], [sflag:$0x7], $0x4000, $0x38;
	[tilespmem:$0x11C00] =	vst v63  }
0x4e: {  	_ =	swait.ge [sflag:s28], $0x4000  }
0x4f: {  	[sflag:s28] =	ssyncset.done $0x0  }
0x50: {  	s9 =	simm.s32 $0x400;
	[sflag:s28] =	ssyncadd.s32 $0xFFFFC000  }
0x51: {  	[tilespmem:s18], [sflag:$0x1] =	stream.indirect.gather [hbm4b:s2+s17], $0x80, s9, s17, $0xb8;
	[tilespmem:$0x11C00] =	vst v63  }
0x52: {  	_ =	swait.ge [sflag:s30], $0x4000  }
0x53: {  	[sflag:s30] =	ssyncset.done $0x0  }
0x54: {  	[sflag:s30] =	ssyncadd.s32 $0xFFFFC000  }
0x55: {  	[hbm4b:s13+s4] =	stream.linear.scatter [tilespmem:s25], [sflag:$0x8], $0x4000, $0x38;
	[tilespmem:$0x11C00] =	vst v63  }
0x56: {  	s29 =	simm.s32 $0x800;
	_ =	swait.ge [sflag:s31], $0x4000  }
0x57: {  	s1 =	sadd.s32 $0x2000, s14;
	s5 =	sadd.s32 $0x10000, s15;
	[sflag:s31] =	ssyncset.done $0x0  }
0x58: {  	s7 =	sadd.s32 $0x2000, s13;
	s8 =	simm.s32 $0x480;
	[sflag:s31] =	ssyncadd.s32 $0xFFFFC000  }
.LBB2_2:
0x59: {  	[tilespmem:s19], [sflag:$0x2] =	stream.indirect.gather [hbm4b:s2+s17], $0x80, s8, s17, $0xb8;
	[tilespmem:$0x11C00] =	vst v63  }
0x5a: {  	s8 =	smov.u32 s29  }
0x5b: {  	p0 =	sne.s32 s29, $0x5000;
	s29 =	sadd.s32 $0x800, s29;
	_ =	swait.ge [sflag:s20], $0x4000  }
0x5c: {  	s9 =	sshrl.u32 s5, $0x3;
	[sflag:s20] =	ssyncset.done $0x0  }
0x5d: {  	s9 =	sadd.s32 s3, s9;
	[sflag:s20] =	ssyncadd.s32 $0xFFFFC000  }
0x5e: {  	[hbm4b:s9+s4] =	stream.linear.scatter [tilespmem:s18], [sflag:$0x5], $0x4000, $0x38;
	[tilespmem:$0x11C00] =	vst v63  }
0x5f: {  	_ =	swait.ge [sflag:s0], $0x4000  }
0x60: {  	s8 =	sshra.s32 s8, $0x2;
	[sflag:s0] =	ssyncset.done $0x0  }
0x61: {  	s9 =	sadd.s32 $0x300, s8;
	[sflag:s0] =	ssyncadd.s32 $0xFFFFC000  }
0x62: {  	[tilespmem:s22], [sflag:$0x3] =	stream.indirect.gather [hbm4b:s2+s17], $0x80, s9, s17, $0xb8;
	[tilespmem:$0x11C00] =	vst v63  }
0x63: {  	_ =	swait.ge [sflag:s23], $0x4000  }
0x64: {  	[sflag:s23] =	ssyncset.done $0x0  }
0x65: {  	[sflag:s23] =	ssyncadd.s32 $0xFFFFC000  }
0x66: {  	[hbm4b:s1+s4] =	stream.linear.scatter [tilespmem:s19], [sflag:$0x6], $0x4000, $0x38;
	[tilespmem:$0x11C00] =	vst v63  }
0x67: {  	_ =	swait.ge [sflag:s21], $0x4000  }
0x68: {  	[sflag:s21] =	ssyncset.done $0x0  }
0x69: {  	s9 =	sadd.s32 $0x380, s8;
	[sflag:s21] =	ssyncadd.s32 $0xFFFFC000  }
0x6a: {  	[tilespmem:s25], [sflag:$0x4] =	stream.indirect.gather [hbm4b:s2+s17], $0x80, s9, s17, $0xb8;
	[tilespmem:$0x11C00] =	vst v63  }
0x6b: {  	_ =	swait.ge [sflag:s26], $0x4000  }
0x6c: {  	[sflag:s26] =	ssyncset.done $0x0  }
0x6d: {  	s9 =	sadd.s32 $0xFFFFF800, s7;
	[sflag:s26] =	ssyncadd.s32 $0xFFFFC000  }
0x6e: {  	[hbm4b:s9+s4] =	stream.linear.scatter [tilespmem:s22], [sflag:$0x7], $0x4000, $0x38;
	[tilespmem:$0x11C00] =	vst v63  }
0x6f: {  	_ =	swait.ge [sflag:s28], $0x4000  }
0x70: {  	[sflag:s28] =	ssyncset.done $0x0  }
0x71: {  	s9 =	sadd.s32 $0x400, s8;
	[sflag:s28] =	ssyncadd.s32 $0xFFFFC000  }
0x72: {  	[tilespmem:s18], [sflag:$0x1] =	stream.indirect.gather [hbm4b:s2+s17], $0x80, s9, s17, $0xb8;
	[tilespmem:$0x11C00] =	vst v63  }
0x73: {  	_ =	swait.ge [sflag:s30], $0x4000  }
0x74: {  	[sflag:s30] =	ssyncset.done $0x0  }
.Ltmp0:
0x75: {  	[sflag:s30] =	ssyncadd.s32 $0xFFFFC000;
	(pc) =	sbr.rel @p0 .LBB2_2-.Ltmp0, $4  }
0x76: {  	[hbm4b:s7+s4] =	stream.linear.scatter [tilespmem:s25], [sflag:$0x8], $0x4000, $0x38;
	[tilespmem:$0x11C00] =	vst v63  }
0x77: {  	_ =	swait.ge [sflag:s31], $0x4000  }
0x78: {  	s5 =	sadd.s32 $0x10000, s5;
	s1 =	sadd.s32 $0x2000, s1;
	[sflag:s31] =	ssyncset.done $0x0  }
0x79: {  	s8 =	sadd.s32 $0x480, s8;
	s7 =	sadd.s32 $0x2000, s7;
	[sflag:s31] =	ssyncadd.s32 $0xFFFFC000  }
0x7a: {  	[tilespmem:s19], [sflag:$0x2] =	stream.indirect.gather [hbm4b:s2+s17], $0x80, s8, s17, $0xb8;
	[tilespmem:$0x11C00] =	vst v63  }
0x7b: {  	_ =	swait.ge [sflag:s20], $0x4000  }
0x7c: {  	[sflag:s20] =	ssyncset.done $0x0  }
0x7d: {  	s1 =	rddreg [dreg:$0x5];
	[sflag:s20] =	ssyncadd.s32 $0xFFFFC000  }
0x7e: {  	[hbm4b:s1+s4] =	stream.linear.scatter [tilespmem:s18], [sflag:$0x5], $0x4000, $0x38;
	[tilespmem:$0x11C00] =	vst v63  }
0x7f: {  	_ =	swait.ge [sflag:s0], $0x4000  }
0x80: {  	[sflag:s0] =	ssyncset.done $0x0  }
0x81: {  	[sflag:s0] =	ssyncadd.s32 $0xFFFFC000  }
0x82: {  	_ =	swait.ge [sflag:s23], $0x4000  }
0x83: {  	[sflag:s23] =	ssyncset.done $0x0  }
0x84: {  	s9 =	rddreg [dreg:$0x6];
	[sflag:s23] =	ssyncadd.s32 $0xFFFFC000  }
0x85: {  	[hbm4b:s9+s4] =	stream.linear.scatter [tilespmem:s19], [sflag:$0x6], $0x4000, $0x38;
	[tilespmem:$0x11C00] =	vst v63  }
0x86: {  	_ =	swait.ge [sflag:s21], $0x4000  }
0x87: {  	[sflag:s21] =	ssyncset.done $0x0  }
0x88: {  	[sflag:s21] =	ssyncadd.s32 $0xFFFFC000  }
0x89: {  	_ =	swait.ge [sflag:s28], $0x4000  }
0x8a: {  	[sflag:s28] =	ssyncset.done $0x0  }
0x8b: {  	[sflag:s28] =	ssyncadd.s32 $0xFFFFC000  }
0x8c: {  	_ =	swait.ge [sflag:s31], $0x4000  }
0x8d: {  	s24 =	sadd.s32 $0x1, s24;
	s29 =	rddreg [dreg:$0x7]  }
0x8e: {  	p0 =	sne.s32 s24, s29  }
.Ltmp1:
0x8f: {  	_ = 	snop;
	(pc) =	sbr.rel @p0 .LBB2_1-.Ltmp1, $3  }
0x90: {  	_ =	sdelay $0x1  }
0x91: {  	[sflag:s31] =	ssyncset.done $0x0  }
0x92: {  	[sflag:s31] =	ssyncadd.s32 $0xFFFFC000  }
0x93: {  	_ =	sfence.sel $0x180000  }
0x94: {  	[bflag:$0x0] =	sbarrier.arrive $0xFFFF  }
0x95: {  	_ =	strace $0x90000047  }
0x96: {  	s0 =	stileid.u32;
	[bflag:$0x2] =	sbarrier.arrive $0xFFFF  }
0x97: {  	p0 =	sne.s32 s0, $0x0;
	s0 =	rddreg [dreg:$0x3]  }
0x98: {  	s0 =	sadd.s32 @!p0 $0x100000, s0  }
0x99: {  	[sflag:s0] =	ssyncadd.tile.s32 @!p0 $0x1;
	_ =	shalt  }
.Lfunc_end2:
_tile_overlayer_lowered:
.L_overlay_start_2:
0x9a: {  	(tag) =	ssettag $0x2  }
0x9b: {  	s0 =	rddreg [dreg:$0x0];
	s2 =	stileid.u32  }
0x9c: {  	s1 =	rddreg [dreg:$0x1];
	p0 =	sne.s32 s2, $0x0  }
0x9d: {  	s3 =	rddreg [dreg:$0x2];
	[bflag:$0x3] =	sbarrier.arrive $0xFFFF;
	s2 =	simm.s32 @!p0 $0x1C09  }
0x9e: {  	[timem:s3], [sflag:s2] =	dma.local @!p0 [hbm:s0], s1  }
0x9f: {  	s0 =	simm.s32 @!p0 $0x9  }
0xa0: {  	_ =	swait.ge @!p0 [sflag:s0], s1  }
0xa1: {  	s1 =	ssub.s32 @!p0 $0x0, s1;
	[sflag:s0] =	ssyncset.done @!p0 $0x0  }
0xa2: {  	[sflag:s0] =	ssyncadd.s32 @!p0 s1  }
0xa3: {  	[bflag:$0x3] =	sbarrier.arrive $0xFFFF  }
0xa4: {  	_ =	shalt  }

</sc_bundles>
